<compile_context>
chip_gen: v7x
topology: tpu7x:2x2x1
jax: 0.10.2.dev20260603
libtpu: 0.0.44.dev20260713+nightly
codegen_flags: <defaults>
</compile_context>

<pallas_src>
import functools

import jax
import jax.numpy as jnp
from jax import lax
from jax.experimental import pallas as pl
from jax.experimental.pallas import tpu as pltpu
from jax.experimental.pallas import tpu_sc as plsc

B = 512
S = 196
D = 512
P = 512
PL = 5
K = 5
KP = K * PL
ROW = PL * D

NC = 2
NS = 16
NW = NC * NS
IDX_PER_W = (B * K) // NW
CHUNK = 40


def _topk_loss_body(cls_ref, key_ref, idx_ref, loss_ref):
    cls = cls_ref[...]
    key = key_ref[...]
    eps = 1e-12
    kn = key * lax.rsqrt(jnp.maximum(jnp.sum(key * key), eps))
    qn = cls * lax.rsqrt(jnp.maximum(jnp.sum(cls * cls), eps))
    sim = lax.dot_general(qn, kn, (((1,), (1,)), ((), ())))
    cols = lax.broadcasted_iota(jnp.int32, (B, P), 1)
    winners = []
    for _ in range(K):
        m = jnp.max(sim, axis=1, keepdims=True)
        hit = sim == m
        idxk = jnp.min(jnp.where(hit, cols, P), axis=1)
        winners.append(idxk)
        sim = jnp.where(cols == idxk[:, None], -jnp.inf, sim)
    idx_ref[...] = jnp.stack(winners, axis=0)

    loss_ref[...] = jnp.full((1, 1), jnp.sum(kn * qn) / B, jnp.float32)


def _topk_loss(cls_feature, prompt_key):
    return pl.pallas_call(
        _topk_loss_body,
        out_shape=(
            jax.ShapeDtypeStruct((K, B), jnp.int32),
            jax.ShapeDtypeStruct((1, 1), jnp.float32),
        ),
    )(cls_feature, prompt_key)


def _sc_gather_body(prompt_hbm, idx_hbm, out_hbm, idx_v, rows_v, sem):
    wid = lax.axis_index("s") * NC + lax.axis_index("c")
    for c in range(IDX_PER_W // CHUNK):
        base = wid * IDX_PER_W + c * CHUNK
        pltpu.sync_copy(idx_hbm.at[pl.ds(base, CHUNK)], idx_v)
        pltpu.async_copy(prompt_hbm.at[idx_v], rows_v, sem).wait()
        pltpu.sync_copy(rows_v, out_hbm.at[pl.ds(base, CHUNK)])


def _sc_gather(prompt2d, idx_flat):
    mesh = plsc.VectorSubcoreMesh(core_axis_name="c", subcore_axis_name="s")
    return pl.kernel(
        _sc_gather_body,
        out_type=jax.ShapeDtypeStruct((B * K, ROW), jnp.float32),
        mesh=mesh,
        scratch_types=[
            pltpu.VMEM((CHUNK,), jnp.int32),
            pltpu.VMEM((CHUNK, ROW), jnp.float32),
            pltpu.SemaphoreType.DMA,
        ],
    )(prompt2d, idx_flat)


def kernel(x_embed, cls_feature, prompt, prompt_key):
    idx_kb, loss11 = _topk_loss(cls_feature, prompt_key)
    idx_flat = idx_kb.T.reshape(B * K)
    bp = _sc_gather(prompt.reshape(P, ROW), idx_flat)
    zero_slab = jnp.zeros((B, KP, D), jnp.float32)
    big = jnp.concatenate((zero_slab, x_embed), axis=1)
    res = lax.dynamic_update_slice(big, bp.reshape(B, KP, D), (0, 0, 0))
    loss = loss11.reshape(())
    return (res, loss)

# --- scband reference (transcript-rebuilt; emitter-appended) ---
"""Pipeline reference for scband-prompt-module-65412351918558 (READ-ONLY COPY).

The authoritative reference and input builder live on the scoring server;
editing this copy changes nothing except your own understanding.
"""

import jax, jax.numpy as jnp
import numpy as np

BATCH = 512
SEQ_LEN = 196
EMBED_DIM = 512
POOL_SIZE = 512
PROMPT_LEN = 5
TOPK = 5


def l2_normalize(x, axis=None, epsilon=1e-12):
    square_sum = jnp.sum(jnp.square(x), axis=axis, keepdims=True)
    x_inv_norm = jax.lax.rsqrt(jnp.maximum(square_sum, epsilon))
    return x * x_inv_norm


def setup_inputs(seed: int = 0):
    key = jax.random.key(seed)
    k1, k2, k3, k4 = jax.random.split(key, 4)
    x_embed = jax.random.normal(k1, (BATCH, SEQ_LEN, EMBED_DIM), dtype=jnp.float32)
    cls_feature = jax.random.normal(k2, (BATCH, EMBED_DIM), dtype=jnp.float32)
    # learned parameters, uniform init as in nn.init.uniform_
    prompt = jax.random.uniform(k3, (POOL_SIZE, PROMPT_LEN, EMBED_DIM), dtype=jnp.float32)
    prompt_key = jax.random.uniform(k4, (POOL_SIZE, EMBED_DIM), dtype=jnp.float32)
    return {"x_embed": x_embed, "cls_feature": cls_feature, "prompt": prompt, "prompt_key": prompt_key}


def reference(x_embed, cls_feature, prompt, prompt_key):
    # cls_feature is provided -> prompt_query = cls_feature (the `if cls_feature:` branch)
    prompt_query = cls_feature
    prompt_key_norm = l2_normalize(prompt_key)          # global l2 norm (axis=None), as written
    prompt_query_norm = l2_normalize(prompt_query)
    sim = jnp.matmul(prompt_key_norm, jnp.transpose(prompt_query_norm, (1, 0)))  # [P, B]
    sim = jnp.transpose(sim, (1, 0))                    # [B, P]
    sim_top_k, idx = jax.lax.top_k(sim, TOPK)           # idx: [B, TOPK]
    batch_prompt_raw = jnp.take(prompt, idx, axis=0)    # [B, TOPK, PROMPT_LEN, D]  (SparseCore gather)
    batch_prompt = batch_prompt_raw.reshape(x_embed.shape[0], TOPK * PROMPT_LEN, EMBED_DIM)
    res = jnp.concatenate((batch_prompt, x_embed), axis=1)  # [B, TOPK*PROMPT_LEN + SEQ_LEN, D]
    loss = jnp.sum(prompt_key_norm * prompt_query_norm) / prompt_query_norm.shape[0]
    return (res, loss)

if __name__ == "__main__":
    import jax
    _d = setup_inputs()
    print(jax.jit(kernel)(*tuple(_d.values())))

</pallas_src>

<mosaic_0001>
#map = affine_map<(d0, d1) -> (0, 0)>
#map1 = affine_map<(d0, d1) -> (0)>
module attributes {stable_mosaic.version = 14 : i64} {
  func.func @_sc_gather_body(%arg0: i32, %arg1: i32, %arg2: memref<512x2560xf32, #tpu.memory_space<hbm>>, %arg3: memref<2560xi32, #tpu.memory_space<hbm>>, %arg4: memref<2560x2560xf32, #tpu.memory_space<hbm>>, %arg5: memref<40xi32, #tpu.memory_space<vmem>>, %arg6: memref<40x2560xf32, #tpu.memory_space<vmem>>, %arg7: memref<!tpu.dma_semaphore, #tpu.memory_space<semaphore_mem>>) attributes {dimension_semantics = [#tpu.dimension_semantics<core_parallel>, #tpu.dimension_semantics<subcore_parallel>], iteration_bounds = array<i64: 2, 16>, scalar_prefetch = 0 : i64, scratch_operands = 3 : i64, tpu.core_type = #tpu.core_type<sc_vector_subcore>, window_params = [{transform_indices = #map}, {transform_indices = #map1}, {transform_indices = #map}]} {
    %mul3A = arith.constant 2 : i32
    %mul3A_0 = arith.muli %arg1, %mul3A : i32
    %add3A = arith.addi %mul3A_0, %arg0 : i32
    %mul3A_1 = arith.constant 80 : i32
    %mul3A_2 = arith.muli %add3A, %mul3A_1 : i32
    %add3A_3 = arith.constant 0 : i32
    %add3A_4 = arith.addi %mul3A_2, %add3A_3 : i32
    "tpu.region"() ({
      %run_scoped3A = tpu.sem_alloc : memref<!tpu.dma_semaphore, #tpu.memory_space<semaphore_mem>>
      %dma_start3A_19 = tpu.memref_slice %arg3[%add3A_4] : memref<2560xi32, #tpu.memory_space<hbm>> -> memref<40xi32, #tpu.memory_space<hbm>>
      %dma_start3A_20 = tpu.memref_slice %arg3[%add3A_4] : memref<2560xi32, #tpu.memory_space<hbm>> -> memref<40xi32, #tpu.memory_space<hbm>>
      tpu.enqueue_dma source(%dma_start3A_20 : memref<40xi32, #tpu.memory_space<hbm>>) target(%arg5 : memref<40xi32, #tpu.memory_space<vmem>>) target_semaphore(%run_scoped3A : memref<!tpu.dma_semaphore, #tpu.memory_space<semaphore_mem>>)
      %dma_wait3A_21 = tpu.memref_slice %arg3[%add3A_4] : memref<2560xi32, #tpu.memory_space<hbm>> -> memref<40xi32, #tpu.memory_space<hbm>>
      %dma_wait3A_22 = tpu.memref_slice %arg3[%add3A_4] : memref<2560xi32, #tpu.memory_space<hbm>> -> memref<40xi32, #tpu.memory_space<hbm>>
      tpu.wait_dma2 semaphore(%run_scoped3A : memref<!tpu.dma_semaphore, #tpu.memory_space<semaphore_mem>>) src(%dma_wait3A_22 : memref<40xi32, #tpu.memory_space<hbm>>) dst(%arg5 : memref<40xi32, #tpu.memory_space<vmem>>)
      tpu.yield
    }) : () -> ()
    %dma_start3A = arith.constant 0 : i32
    %dma_start3A_5 = arith.constant 0 : i32
    %dma_start3A_6 = tpu.memref_slice %arg2[%dma_start3A, %dma_start3A_5] : memref<512x2560xf32, #tpu.memory_space<hbm>> -> memref<512x2560xf32, #tpu.memory_space<hbm>>
    tpu.enqueue_indirect_dma source(%dma_start3A_6 : memref<512x2560xf32, #tpu.memory_space<hbm>>) target(%arg6 : memref<40x2560xf32, #tpu.memory_space<vmem>>) offsets(%arg5 : memref<40xi32, #tpu.memory_space<vmem>>) semaphore(%arg7 : memref<!tpu.dma_semaphore, #tpu.memory_space<semaphore_mem>>)
    %dma_wait3A = arith.constant 0 : i32
    %dma_wait3A_7 = arith.constant 0 : i32
    %dma_wait3A_8 = tpu.memref_slice %arg2[%dma_wait3A, %dma_wait3A_7] : memref<512x2560xf32, #tpu.memory_space<hbm>> -> memref<512x2560xf32, #tpu.memory_space<hbm>>
    tpu.wait_indirect_dma semaphore(%arg7 : memref<!tpu.dma_semaphore, #tpu.memory_space<semaphore_mem>>) src(%dma_wait3A_8 : memref<512x2560xf32, #tpu.memory_space<hbm>>) dst(%arg6 : memref<40x2560xf32, #tpu.memory_space<vmem>>)
    "tpu.region"() ({
      %run_scoped3A = tpu.sem_alloc : memref<!tpu.dma_semaphore, #tpu.memory_space<semaphore_mem>>
      %dma_start3A_19 = arith.constant 0 : i32
      %dma_start3A_20 = tpu.memref_slice %arg4[%add3A_4, %dma_start3A_19] : memref<2560x2560xf32, #tpu.memory_space<hbm>> -> memref<40x2560xf32, #tpu.memory_space<hbm>>
      %dma_start3A_21 = arith.constant 0 : i32
      %dma_start3A_22 = tpu.memref_slice %arg4[%add3A_4, %dma_start3A_21] : memref<2560x2560xf32, #tpu.memory_space<hbm>> -> memref<40x2560xf32, #tpu.memory_space<hbm>>
      tpu.enqueue_dma source(%arg6 : memref<40x2560xf32, #tpu.memory_space<vmem>>) target(%dma_start3A_22 : memref<40x2560xf32, #tpu.memory_space<hbm>>) target_semaphore(%run_scoped3A : memref<!tpu.dma_semaphore, #tpu.memory_space<semaphore_mem>>)
      %dma_wait3A_23 = arith.constant 0 : i32
      %dma_wait3A_24 = tpu.memref_slice %arg4[%add3A_4, %dma_wait3A_23] : memref<2560x2560xf32, #tpu.memory_space<hbm>> -> memref<40x2560xf32, #tpu.memory_space<hbm>>
      %dma_wait3A_25 = arith.constant 0 : i32
      %dma_wait3A_26 = tpu.memref_slice %arg4[%add3A_4, %dma_wait3A_25] : memref<2560x2560xf32, #tpu.memory_space<hbm>> -> memref<40x2560xf32, #tpu.memory_space<hbm>>
      tpu.wait_dma2 semaphore(%run_scoped3A : memref<!tpu.dma_semaphore, #tpu.memory_space<semaphore_mem>>) src(%arg6 : memref<40x2560xf32, #tpu.memory_space<vmem>>) dst(%dma_wait3A_26 : memref<40x2560xf32, #tpu.memory_space<hbm>>)
      tpu.yield
    }) : () -> ()
    %mul3A_9 = arith.constant 80 : i32
    %mul3A_10 = arith.muli %add3A, %mul3A_9 : i32
    %add3A_11 = arith.constant 40 : i32
    %add3A_12 = arith.addi %mul3A_10, %add3A_11 : i32
    "tpu.region"() ({
      %run_scoped3A = tpu.sem_alloc : memref<!tpu.dma_semaphore, #tpu.memory_space<semaphore_mem>>
      %dma_start3A_19 = tpu.memref_slice %arg3[%add3A_12] : memref<2560xi32, #tpu.memory_space<hbm>> -> memref<40xi32, #tpu.memory_space<hbm>>
      %dma_start3A_20 = tpu.memref_slice %arg3[%add3A_12] : memref<2560xi32, #tpu.memory_space<hbm>> -> memref<40xi32, #tpu.memory_space<hbm>>
      tpu.enqueue_dma source(%dma_start3A_20 : memref<40xi32, #tpu.memory_space<hbm>>) target(%arg5 : memref<40xi32, #tpu.memory_space<vmem>>) target_semaphore(%run_scoped3A : memref<!tpu.dma_semaphore, #tpu.memory_space<semaphore_mem>>)
      %dma_wait3A_21 = tpu.memref_slice %arg3[%add3A_12] : memref<2560xi32, #tpu.memory_space<hbm>> -> memref<40xi32, #tpu.memory_space<hbm>>
      %dma_wait3A_22 = tpu.memref_slice %arg3[%add3A_12] : memref<2560xi32, #tpu.memory_space<hbm>> -> memref<40xi32, #tpu.memory_space<hbm>>
      tpu.wait_dma2 semaphore(%run_scoped3A : memref<!tpu.dma_semaphore, #tpu.memory_space<semaphore_mem>>) src(%dma_wait3A_22 : memref<40xi32, #tpu.memory_space<hbm>>) dst(%arg5 : memref<40xi32, #tpu.memory_space<vmem>>)
      tpu.yield
    }) : () -> ()
    %dma_start3A_13 = arith.constant 0 : i32
    %dma_start3A_14 = arith.constant 0 : i32
    %dma_start3A_15 = tpu.memref_slice %arg2[%dma_start3A_13, %dma_start3A_14] : memref<512x2560xf32, #tpu.memory_space<hbm>> -> memref<512x2560xf32, #tpu.memory_space<hbm>>
    tpu.enqueue_indirect_dma source(%dma_start3A_15 : memref<512x2560xf32, #tpu.memory_space<hbm>>) target(%arg6 : memref<40x2560xf32, #tpu.memory_space<vmem>>) offsets(%arg5 : memref<40xi32, #tpu.memory_space<vmem>>) semaphore(%arg7 : memref<!tpu.dma_semaphore, #tpu.memory_space<semaphore_mem>>)
    %dma_wait3A_16 = arith.constant 0 : i32
    %dma_wait3A_17 = arith.constant 0 : i32
    %dma_wait3A_18 = tpu.memref_slice %arg2[%dma_wait3A_16, %dma_wait3A_17] : memref<512x2560xf32, #tpu.memory_space<hbm>> -> memref<512x2560xf32, #tpu.memory_space<hbm>>
    tpu.wait_indirect_dma semaphore(%arg7 : memref<!tpu.dma_semaphore, #tpu.memory_space<semaphore_mem>>) src(%dma_wait3A_18 : memref<512x2560xf32, #tpu.memory_space<hbm>>) dst(%arg6 : memref<40x2560xf32, #tpu.memory_space<vmem>>)
    "tpu.region"() ({
      %run_scoped3A = tpu.sem_alloc : memref<!tpu.dma_semaphore, #tpu.memory_space<semaphore_mem>>
      %dma_start3A_19 = arith.constant 0 : i32
      %dma_start3A_20 = tpu.memref_slice %arg4[%add3A_12, %dma_start3A_19] : memref<2560x2560xf32, #tpu.memory_space<hbm>> -> memref<40x2560xf32, #tpu.memory_space<hbm>>
      %dma_start3A_21 = arith.constant 0 : i32
      %dma_start3A_22 = tpu.memref_slice %arg4[%add3A_12, %dma_start3A_21] : memref<2560x2560xf32, #tpu.memory_space<hbm>> -> memref<40x2560xf32, #tpu.memory_space<hbm>>
      tpu.enqueue_dma source(%arg6 : memref<40x2560xf32, #tpu.memory_space<vmem>>) target(%dma_start3A_22 : memref<40x2560xf32, #tpu.memory_space<hbm>>) target_semaphore(%run_scoped3A : memref<!tpu.dma_semaphore, #tpu.memory_space<semaphore_mem>>)
      %dma_wait3A_23 = arith.constant 0 : i32
      %dma_wait3A_24 = tpu.memref_slice %arg4[%add3A_12, %dma_wait3A_23] : memref<2560x2560xf32, #tpu.memory_space<hbm>> -> memref<40x2560xf32, #tpu.memory_space<hbm>>
      %dma_wait3A_25 = arith.constant 0 : i32
      %dma_wait3A_26 = tpu.memref_slice %arg4[%add3A_12, %dma_wait3A_25] : memref<2560x2560xf32, #tpu.memory_space<hbm>> -> memref<40x2560xf32, #tpu.memory_space<hbm>>
      tpu.wait_dma2 semaphore(%run_scoped3A : memref<!tpu.dma_semaphore, #tpu.memory_space<semaphore_mem>>) src(%arg6 : memref<40x2560xf32, #tpu.memory_space<vmem>>) dst(%dma_wait3A_26 : memref<40x2560xf32, #tpu.memory_space<hbm>>)
      tpu.yield
    }) : () -> ()
    return
  }
}

module attributes {stable_mosaic.version = 14 : i64} {
  func.func @_topk_loss_body(%arg0: memref<512x512xf32, #tpu.memory_space<vmem>>, %arg1: memref<512x512xf32, #tpu.memory_space<vmem>>, %arg2: memref<5x512xi32, #tpu.memory_space<vmem>>, %arg3: memref<1x1xf32, #tpu.memory_space<vmem>>) attributes {dimension_semantics = [], scalar_prefetch = 0 : i64, scratch_operands = 0 : i64, tpu.core_type = #tpu.core_type<tc>} {
    %get3A = arith.constant 0 : index
    %get3A_0 = arith.constant 0 : index
    %get3A_1 = vector.load %arg0[%get3A, %get3A_0] : memref<512x512xf32, #tpu.memory_space<vmem>>, vector<512x512xf32>
    %get3A_2 = arith.constant 0 : index
    %get3A_3 = arith.constant 0 : index
    %get3A_4 = vector.load %arg1[%get3A_2, %get3A_3] : memref<512x512xf32, #tpu.memory_space<vmem>>, vector<512x512xf32>
    %mul3A = arith.mulf %get3A_4, %get3A_4 : vector<512x512xf32>
    %reduce_sum3A = vector.shape_cast %mul3A : vector<512x512xf32> to vector<1x512x512xf32>
    %reduce_sum3A_5 = arith.constant dense<0.000000e+00> : vector<1xf32>
    %reduce_sum3A_6 = vector.multi_reduction <add>, %reduce_sum3A, %reduce_sum3A_5 [1, 2] : vector<1x512x512xf32> to vector<1xf32>
    %reduce_sum3A_7 = vector.shape_cast %reduce_sum3A_6 : vector<1xf32> to vector<1x1x1xf32>
    %reduce_sum3A_8 = vector.extract %reduce_sum3A_7[0, 0, 0] : f32 from vector<1x1x1xf32>
    %max3A = arith.constant 9.99999996E-13 : f32
    %max3A_9 = arith.maximumf %reduce_sum3A_8, %max3A : f32
    %rsqrt3A = math.rsqrt %max3A_9 : f32
    %mul3A_10 = vector.broadcast %rsqrt3A : f32 to vector<512x512xf32>
    %mul3A_11 = arith.mulf %get3A_4, %mul3A_10 : vector<512x512xf32>
    %mul3A_12 = arith.mulf %get3A_1, %get3A_1 : vector<512x512xf32>
    %reduce_sum3A_13 = vector.shape_cast %mul3A_12 : vector<512x512xf32> to vector<1x512x512xf32>
    %reduce_sum3A_14 = arith.constant dense<0.000000e+00> : vector<1xf32>
    %reduce_sum3A_15 = vector.multi_reduction <add>, %reduce_sum3A_13, %reduce_sum3A_14 [1, 2] : vector<1x512x512xf32> to vector<1xf32>
    %reduce_sum3A_16 = vector.shape_cast %reduce_sum3A_15 : vector<1xf32> to vector<1x1x1xf32>
    %reduce_sum3A_17 = vector.extract %reduce_sum3A_16[0, 0, 0] : f32 from vector<1x1x1xf32>
    %max3A_18 = arith.constant 9.99999996E-13 : f32
    %max3A_19 = arith.maximumf %reduce_sum3A_17, %max3A_18 : f32
    %rsqrt3A_20 = math.rsqrt %max3A_19 : f32
    %mul3A_21 = vector.broadcast %rsqrt3A_20 : f32 to vector<512x512xf32>
    %mul3A_22 = arith.mulf %get3A_1, %mul3A_21 : vector<512x512xf32>
    %dot_general3A = arith.constant dense<0.000000e+00> : vector<512x512xf32>
    %dot_general3A_23 = tpu.matmul %mul3A_22, %mul3A_11, %dot_general3A {dimension_numbers = #tpu.dot_dimension_numbers<[1], [1], [0], [0], [0, 0, 1, 0], [], []>, transpose_lhs_hint = false} : vector<512x512xf32>, vector<512x512xf32>, vector<512x512xf32> -> vector<512x512xf32>
    %iota3A = tpu.iota {dimensions = array<i32: 1>} : vector<512x512xi32>
    %reduce_max3A = arith.constant dense<0xFF800000> : vector<512xf32>
    %reduce_max3A_24 = vector.multi_reduction <maximumf>, %dot_general3A_23, %reduce_max3A [1] : vector<512x512xf32> to vector<512xf32>
    %broadcast_in_dim3A = vector.shape_cast %reduce_max3A_24 : vector<512xf32> to vector<512x1xf32>
    %eq3A = vector.broadcast %broadcast_in_dim3A : vector<512x1xf32> to vector<512x512xf32>
    %eq3A_25 = arith.cmpf oeq, %dot_general3A_23, %eq3A : vector<512x512xf32>
    %jit3A = arith.constant 512 : i32
    %broadcast_in_dim3A_26 = vector.broadcast %jit3A : i32 to vector<512x512xi32>
    %select_n3A = arith.select %eq3A_25, %iota3A, %broadcast_in_dim3A_26 : vector<512x512xi1>, vector<512x512xi32>
    %reduce_min3A = arith.constant dense<2147483647> : vector<512xi32>
    %reduce_min3A_27 = vector.multi_reduction <minsi>, %select_n3A, %reduce_min3A [1] : vector<512x512xi32> to vector<512xi32>
    %broadcast_in_dim3A_28 = vector.shape_cast %reduce_min3A_27 : vector<512xi32> to vector<512x1xi32>
    %eq3A_29 = vector.broadcast %broadcast_in_dim3A_28 : vector<512x1xi32> to vector<512x512xi32>
    %eq3A_30 = arith.cmpi eq, %iota3A, %eq3A_29 : vector<512x512xi32>
    %jit3A_31 = arith.constant 0xFF800000 : f32
    %broadcast_in_dim3A_32 = vector.broadcast %jit3A_31 : f32 to vector<512x512xf32>
    %select_n3A_33 = arith.select %eq3A_30, %broadcast_in_dim3A_32, %dot_general3A_23 : vector<512x512xi1>, vector<512x512xf32>
    %reduce_max3A_34 = arith.constant dense<0xFF800000> : vector<512xf32>
    %reduce_max3A_35 = vector.multi_reduction <maximumf>, %select_n3A_33, %reduce_max3A_34 [1] : vector<512x512xf32> to vector<512xf32>
    %broadcast_in_dim3A_36 = vector.shape_cast %reduce_max3A_35 : vector<512xf32> to vector<512x1xf32>
    %eq3A_37 = vector.broadcast %broadcast_in_dim3A_36 : vector<512x1xf32> to vector<512x512xf32>
    %eq3A_38 = arith.cmpf oeq, %select_n3A_33, %eq3A_37 : vector<512x512xf32>
    %jit3A_39 = arith.constant 512 : i32
    %broadcast_in_dim3A_40 = vector.broadcast %jit3A_39 : i32 to vector<512x512xi32>
    %select_n3A_41 = arith.select %eq3A_38, %iota3A, %broadcast_in_dim3A_40 : vector<512x512xi1>, vector<512x512xi32>
    %reduce_min3A_42 = arith.constant dense<2147483647> : vector<512xi32>
    %reduce_min3A_43 = vector.multi_reduction <minsi>, %select_n3A_41, %reduce_min3A_42 [1] : vector<512x512xi32> to vector<512xi32>
    %broadcast_in_dim3A_44 = vector.shape_cast %reduce_min3A_43 : vector<512xi32> to vector<512x1xi32>
    %eq3A_45 = vector.broadcast %broadcast_in_dim3A_44 : vector<512x1xi32> to vector<512x512xi32>
    %eq3A_46 = arith.cmpi eq, %iota3A, %eq3A_45 : vector<512x512xi32>
    %jit3A_47 = arith.constant 0xFF800000 : f32
    %broadcast_in_dim3A_48 = vector.broadcast %jit3A_47 : f32 to vector<512x512xf32>
    %select_n3A_49 = arith.select %eq3A_46, %broadcast_in_dim3A_48, %select_n3A_33 : vector<512x512xi1>, vector<512x512xf32>
    %reduce_max3A_50 = arith.constant dense<0xFF800000> : vector<512xf32>
    %reduce_max3A_51 = vector.multi_reduction <maximumf>, %select_n3A_49, %reduce_max3A_50 [1] : vector<512x512xf32> to vector<512xf32>
    %broadcast_in_dim3A_52 = vector.shape_cast %reduce_max3A_51 : vector<512xf32> to vector<512x1xf32>
    %eq3A_53 = vector.broadcast %broadcast_in_dim3A_52 : vector<512x1xf32> to vector<512x512xf32>
    %eq3A_54 = arith.cmpf oeq, %select_n3A_49, %eq3A_53 : vector<512x512xf32>
    %jit3A_55 = arith.constant 512 : i32
    %broadcast_in_dim3A_56 = vector.broadcast %jit3A_55 : i32 to vector<512x512xi32>
    %select_n3A_57 = arith.select %eq3A_54, %iota3A, %broadcast_in_dim3A_56 : vector<512x512xi1>, vector<512x512xi32>
    %reduce_min3A_58 = arith.constant dense<2147483647> : vector<512xi32>
    %reduce_min3A_59 = vector.multi_reduction <minsi>, %select_n3A_57, %reduce_min3A_58 [1] : vector<512x512xi32> to vector<512xi32>
    %broadcast_in_dim3A_60 = vector.shape_cast %reduce_min3A_59 : vector<512xi32> to vector<512x1xi32>
    %eq3A_61 = vector.broadcast %broadcast_in_dim3A_60 : vector<512x1xi32> to vector<512x512xi32>
    %eq3A_62 = arith.cmpi eq, %iota3A, %eq3A_61 : vector<512x512xi32>
    %jit3A_63 = arith.constant 0xFF800000 : f32
    %broadcast_in_dim3A_64 = vector.broadcast %jit3A_63 : f32 to vector<512x512xf32>
    %select_n3A_65 = arith.select %eq3A_62, %broadcast_in_dim3A_64, %select_n3A_49 : vector<512x512xi1>, vector<512x512xf32>
    %reduce_max3A_66 = arith.constant dense<0xFF800000> : vector<512xf32>
    %reduce_max3A_67 = vector.multi_reduction <maximumf>, %select_n3A_65, %reduce_max3A_66 [1] : vector<512x512xf32> to vector<512xf32>
    %broadcast_in_dim3A_68 = vector.shape_cast %reduce_max3A_67 : vector<512xf32> to vector<512x1xf32>
    %eq3A_69 = vector.broadcast %broadcast_in_dim3A_68 : vector<512x1xf32> to vector<512x512xf32>
    %eq3A_70 = arith.cmpf oeq, %select_n3A_65, %eq3A_69 : vector<512x512xf32>
    %jit3A_71 = arith.constant 512 : i32
    %broadcast_in_dim3A_72 = vector.broadcast %jit3A_71 : i32 to vector<512x512xi32>
    %select_n3A_73 = arith.select %eq3A_70, %iota3A, %broadcast_in_dim3A_72 : vector<512x512xi1>, vector<512x512xi32>
    %reduce_min3A_74 = arith.constant dense<2147483647> : vector<512xi32>
    %reduce_min3A_75 = vector.multi_reduction <minsi>, %select_n3A_73, %reduce_min3A_74 [1] : vector<512x512xi32> to vector<512xi32>
    %broadcast_in_dim3A_76 = vector.shape_cast %reduce_min3A_75 : vector<512xi32> to vector<512x1xi32>
    %eq3A_77 = vector.broadcast %broadcast_in_dim3A_76 : vector<512x1xi32> to vector<512x512xi32>
    %eq3A_78 = arith.cmpi eq, %iota3A, %eq3A_77 : vector<512x512xi32>
    %jit3A_79 = arith.constant 0xFF800000 : f32
    %broadcast_in_dim3A_80 = vector.broadcast %jit3A_79 : f32 to vector<512x512xf32>
    %select_n3A_81 = arith.select %eq3A_78, %broadcast_in_dim3A_80, %select_n3A_65 : vector<512x512xi1>, vector<512x512xf32>
    %reduce_max3A_82 = arith.constant dense<0xFF800000> : vector<512xf32>
    %reduce_max3A_83 = vector.multi_reduction <maximumf>, %select_n3A_81, %reduce_max3A_82 [1] : vector<512x512xf32> to vector<512xf32>
    %broadcast_in_dim3A_84 = vector.shape_cast %reduce_max3A_83 : vector<512xf32> to vector<512x1xf32>
    %eq3A_85 = vector.broadcast %broadcast_in_dim3A_84 : vector<512x1xf32> to vector<512x512xf32>
    %eq3A_86 = arith.cmpf oeq, %select_n3A_81, %eq3A_85 : vector<512x512xf32>
    %jit3A_87 = arith.constant 512 : i32
    %broadcast_in_dim3A_88 = vector.broadcast %jit3A_87 : i32 to vector<512x512xi32>
    %select_n3A_89 = arith.select %eq3A_86, %iota3A, %broadcast_in_dim3A_88 : vector<512x512xi1>, vector<512x512xi32>
    %reduce_min3A_90 = arith.constant dense<2147483647> : vector<512xi32>
    %reduce_min3A_91 = vector.multi_reduction <minsi>, %select_n3A_89, %reduce_min3A_90 [1] : vector<512x512xi32> to vector<512xi32>
    %stack3A = vector.shape_cast %reduce_min3A_27 : vector<512xi32> to vector<1x512xi32>
    %stack3A_92 = vector.shape_cast %reduce_min3A_43 : vector<512xi32> to vector<1x512xi32>
    %stack3A_93 = vector.shape_cast %reduce_min3A_59 : vector<512xi32> to vector<1x512xi32>
    %stack3A_94 = vector.shape_cast %reduce_min3A_75 : vector<512xi32> to vector<1x512xi32>
    %stack3A_95 = vector.shape_cast %reduce_min3A_91 : vector<512xi32> to vector<1x512xi32>
    %stack3A_96 = tpu.concatenate %stack3A, %stack3A_92, %stack3A_93, %stack3A_94, %stack3A_95 in 0 : vector<1x512xi32>, vector<1x512xi32>, vector<1x512xi32>, vector<1x512xi32>, vector<1x512xi32> -> vector<5x512xi32>
    %swap3A = arith.constant 0 : index
    %swap3A_97 = arith.constant 0 : index
    %swap3A_98 = vector.load %arg2[%swap3A, %swap3A_97] : memref<5x512xi32, #tpu.memory_space<vmem>>, vector<5x512xi32>
    tpu.vector_store %arg2[%swap3A, %swap3A_97], %stack3A_96 {strides = array<i32>} : memref<5x512xi32, #tpu.memory_space<vmem>>, vector<5x512xi32>,
    %mul3A_99 = arith.mulf %mul3A_11, %mul3A_22 : vector<512x512xf32>
    %reduce_sum3A_100 = vector.shape_cast %mul3A_99 : vector<512x512xf32> to vector<1x512x512xf32>
    %reduce_sum3A_101 = arith.constant dense<0.000000e+00> : vector<1xf32>
    %reduce_sum3A_102 = vector.multi_reduction <add>, %reduce_sum3A_100, %reduce_sum3A_101 [1, 2] : vector<1x512x512xf32> to vector<1xf32>
    %reduce_sum3A_103 = vector.shape_cast %reduce_sum3A_102 : vector<1xf32> to vector<1x1x1xf32>
    %reduce_sum3A_104 = vector.extract %reduce_sum3A_103[0, 0, 0] : f32 from vector<1x1x1xf32>
    %div3A = arith.constant 5.120000e+02 : f32
    %div3A_105 = arith.divf %reduce_sum3A_104, %div3A : f32
    %broadcast_in_dim3A_106 = vector.broadcast %div3A_105 : f32 to vector<1x1xf32>
    %swap3A_107 = arith.constant 0 : index
    %swap3A_108 = arith.constant 0 : index
    %swap3A_109 = vector.load %arg3[%swap3A_107, %swap3A_108] : memref<1x1xf32, #tpu.memory_space<vmem>>, vector<1x1xf32>
    tpu.vector_store %arg3[%swap3A_107, %swap3A_108], %broadcast_in_dim3A_106 {strides = array<i32>} : memref<1x1xf32, #tpu.memory_space<vmem>>, vector<1x1xf32>,
    return
  }
}

</mosaic_0001>

<sc_bundles>
// kernel: kernel.4.cloned.1.call-start
scs
__scs_entry_jumppad:
0x0: {  	(pc) =	sbr.rel $0x88, $3  }
0x1: {  	(tag) =	ssettag $0x0;
	lr =	simm.s32 $0x1  }
0x2: {  	[smem:$0x3F9D] =	sst lr;
	_ =	strace $0xD0000000  }
0x3: {  	_ = 	snop  }
0x4: {  	_ = 	snop  }
0x5: {  	_ = 	snop  }
0x6: {  	_ = 	snop  }
0x7: {  	_ = 	snop  }
__scs_overlays_trampoline_lowered:
0x8: {  	[smem:$0x3FAC] =	sst s0  }
0x9: {  	[smem:$0x3FAD] =	sst s1  }
0xa: {  	[smem:$0x3FAE] =	sst s2  }
0xb: {  	[smem:$0x3FAF] =	sst s3  }
0xc: {  	[smem:$0x3FB0] =	sst s4  }
0xd: {  	[smem:$0x3FB1] =	sst s5  }
0xe: {  	[smem:$0x3FB2] =	sst s6  }
0xf: {  	[smem:$0x3FB3] =	sst s7  }
0x10: {  	[smem:$0x3FB4] =	sst s8  }
0x11: {  	[smem:$0x3FB5] =	sst s9;
	s0 =	simm.s32 @!p0 $0x0  }
0x12: {  	s1 =	sld [smem:$0x3F9B];
	s0 =	simm.s32 @p0 $0x1  }
0x13: {  	[smem:$0x3FB6] =	sst s0;
	s0 =	simm.s32 @!p1 $0x0  }
0x14: {  	s2 =	sld [smem:$0x3F9A];
	s0 =	simm.s32 @p1 $0x1  }
0x15: {  	[smem:$0x3FB7] =	sst s0;
	s0 =	simm.s32 @!p2 $0x0  }
0x16: {  	s3 =	sld [smem:$0x3FDB];
	s0 =	simm.s32 @p2 $0x1  }
0x17: {  	s4 =	simm.s32 $0x1BF5;
	[smem:$0x3FB9] =	sst s0  }
0x18: {  	s0 =	sld [smem:$0x3F9C];
	_ =	swait.ge [sflag:s4], $0x0  }
0x19: {  	s7 =	sld [smem:$0x3F9D]  }
0x1a: {  	s8 =	sadd.s32 $0xFFFFE003, lr  }
0x1b: {  	s9 =	sadd.s32 $0xFFFFFEF7, lr;
	s5 =	simm.s32 $0xFFFFFFFF;
	p2 =	slt.u32 s8, $0xFFFFF086  }
0x1c: {  	p1 =	slt.u32 s9, $0xF7A;
	s5 =	simm.s32 @!p2 $0x0  }
0x1d: {  	s5 =	simm.s32 @p1 $0x1;
	p0 =	seq.s32 s7, s2  }
0x1e: {  	s7 =	smul.u32 @!p0 $0xF7A, s2;
	p2 =	seq.s32 @!p0 s5, $0x0  }
0x1f: {  	s9 =	smul.u32 $0xF7A, s1;
	s8 =	simm.s32 @!p0 $0x1BF5;
	p2 =	por !p2, p0  }
0x20: {  	[sflag:s8] =	ssyncset.s32 @!p0 $0xFFFFF086;
	s6 =	sadd.s32 @!p0 s3, s7;
	s7 =	simm.s32 @!p0 $0x108  }
0x21: {  	s3 =	sadd.s32 s3, s9;
	s6 =	sadd.s32 @!p0 $0x88, s6;
	s7 =	simm.s32 @p2 $0x1082  }
0x22: {  	[simem:s7], [sflag:s8] =	dma.local @!p0 [hbm:s6], $0xF7A  }
0x23: {  	s9 =	sor.u32 $0xD0000000, s2;
	s6 =	simm.s32 $0x108;
	_ =	swait.ge @!p0 [sflag:s8], $0x0  }
0x24: {  	s3 =	sadd.s32 $0x88, s3;
	s6 =	simm.s32 @!p1 $0x1082;
	[sflag:s4] =	ssyncset.s32 $0xFFFFF086  }
0x25: {  	[simem:s6], [sflag:s4] =	dma.local [hbm:s3], $0xF7A  }
0x26: {  	[smem:$0x3F9D] =	sst s1;
	(tag) =	ssettag s2;
	_ =	strace s9  }
0x27: {  	s1 =	sld [smem:$0x3FAD]  }
0x28: {  	s2 =	sld [smem:$0x3FAE]  }
0x29: {  	s4 =	sld [smem:$0x3FB0]  }
0x2a: {  	p0 =	seq.s32 s5, $0x0;
	s5 =	sld [smem:$0x3FB1]  }
0x2b: {  	s6 =	sld [smem:$0x3FB2]  }
0x2c: {  	s7 =	sld [smem:$0x3FB3]  }
0x2d: {  	s3 =	simm.s32 $0x108;
	s8 =	sld [smem:$0x3FB4]  }
0x2e: {  	s3 =	simm.s32 @!p0 $0x1082;
	s9 =	sld [smem:$0x3FB5]  }
0x2f: {  	lr =	sadd.s32 s0, s3;
	s0 =	sld [smem:$0x3FAC]  }
0x30: {  	s3 =	sld [smem:$0x3FAF]  }
0x31: {  	[smem:$0x3FB8] =	sst s10  }
0x32: {  	s10 =	sld [smem:$0x3FB6];
	_ =	sdelay $0x3  }
0x33: {  	p0 =	seq.s32 s10, $0x1;
	s10 =	sld [smem:$0x3FB8];
	_ =	sdelay $0x3  }
0x34: {  	[smem:$0x3FB8] =	sst s10  }
0x35: {  	s10 =	sld [smem:$0x3FB7];
	_ =	sdelay $0x3  }
0x36: {  	p1 =	seq.s32 s10, $0x1;
	s10 =	sld [smem:$0x3FB8];
	_ =	sdelay $0x3  }
0x37: {  	[smem:$0x3FB8] =	sst s10  }
0x38: {  	s10 =	sld [smem:$0x3FB9]  }
0x39: {  	_ = 	snop;
	(pc) =	sbr.ind lr, $3  }
0x3a: {  	_ = 	snop  }
0x3b: {  	_ = 	snop  }
0x3c: {  	p2 =	seq.s32 s10, $0x1;
	s10 =	sld [smem:$0x3FB8]  }
0x3d: {  	_ =	shalt  }
0x3e: {  	_ =	shalt  }
0x3f: {  	_ =	shalt  }
0x40: {  	_ =	shalt  }
0x41: {  	_ =	shalt  }
0x42: {  	_ =	shalt  }
0x43: {  	_ =	shalt  }
0x44: {  	_ =	shalt  }
0x45: {  	_ =	shalt  }
0x46: {  	_ =	shalt  }
0x47: {  	_ =	shalt  }
0x48: {  	_ =	shalt  }
0x49: {  	_ =	shalt  }
0x4a: {  	_ =	shalt  }
0x4b: {  	_ =	shalt  }
0x4c: {  	_ =	shalt  }
0x4d: {  	_ =	shalt  }
0x4e: {  	_ =	shalt  }
0x4f: {  	_ =	shalt  }
0x50: {  	_ =	shalt  }
0x51: {  	_ =	shalt  }
0x52: {  	_ =	shalt  }
0x53: {  	_ =	shalt  }
0x54: {  	_ =	shalt  }
0x55: {  	_ =	shalt  }
0x56: {  	_ =	shalt  }
0x57: {  	_ =	shalt  }
0x58: {  	_ =	shalt  }
0x59: {  	_ =	shalt  }
0x5a: {  	_ =	shalt  }
0x5b: {  	_ =	shalt  }
0x5c: {  	_ =	shalt  }
0x5d: {  	_ =	shalt  }
0x5e: {  	_ =	shalt  }
0x5f: {  	_ =	shalt  }
0x60: {  	_ =	shalt  }
0x61: {  	_ =	shalt  }
0x62: {  	_ =	shalt  }
0x63: {  	_ =	shalt  }
0x64: {  	_ =	shalt  }
0x65: {  	_ =	shalt  }
0x66: {  	_ =	shalt  }
0x67: {  	_ =	shalt  }
0x68: {  	_ =	shalt  }
0x69: {  	_ =	shalt  }
0x6a: {  	_ =	shalt  }
0x6b: {  	_ =	shalt  }
0x6c: {  	_ =	shalt  }
0x6d: {  	_ =	shalt  }
0x6e: {  	_ =	shalt  }
0x6f: {  	_ =	shalt  }
0x70: {  	_ =	shalt  }
0x71: {  	_ =	shalt  }
0x72: {  	_ =	shalt  }
0x73: {  	_ =	shalt  }
0x74: {  	_ =	shalt  }
0x75: {  	_ =	shalt  }
0x76: {  	_ =	shalt  }
0x77: {  	_ =	shalt  }
0x78: {  	_ =	shalt  }
0x79: {  	_ =	shalt  }
0x7a: {  	_ =	shalt  }
0x7b: {  	_ =	shalt  }
0x7c: {  	_ =	shalt  }
0x7d: {  	_ =	shalt  }
0x7e: {  	_ =	shalt  }
0x7f: {  	_ =	shalt  }
0x80: {  	_ =	shalt  }
0x81: {  	_ =	shalt  }
0x82: {  	_ =	shalt  }
0x83: {  	_ =	shalt  }
0x84: {  	_ =	shalt  }
0x85: {  	_ =	shalt  }
0x86: {  	_ =	shalt  }
0x87: {  	_ =	shalt  }
.Lfunc_end0:
.L_simem_size_0:
called_computation_lowered:
.L_overlay_start_0:
0x88: {  	s2 =	sld [smem:$0x3FD9]  }
0x89: {  	s3 =	sld [smem:$0x3FFE];
	_ =	sdelay $0x1  }
0x8a: {  	s1 =	srdreg.scid  }
0x8b: {  	s0 =	sand.u32 $0x1, s1  }
0x8c: {  	s16 =	sshll.u32 s0, $0xA;
	s2 =	sadd.s32 s3, s2  }
0x8d: {  	s2 =	sadd.s32 s2, s16  }
0x8e: {  	[smem:$0x3FC4] =	sst s2  }
0x8f: {  	_ = 	snop  }
0x90: {  	(tm) =	ssettm $0x1  }
0x91: {  	s17 =	sld [smem:$0x3FFB];
	_ =	sdelay $0x3  }
0x92: {  	_ =	strace s17  }
0x93: {  	s2 =	sld [smem:$0x3FFC];
	_ =	sdelay $0x3  }
0x94: {  	_ =	strace s2  }
0x95: {  	s2 =	sld [smem:$0x3FFD];
	_ =	sdelay $0x3  }
0x96: {  	_ =	strace s2  }
0x97: {  	_ =	strace $0x8FFFFFFF  }
0x98: {  	s18 =	sld [smem:$0x3FDB];
	_ =	sdelay $0x1  }
0x99: {  	s19 =	simm.s32 $_scs_section_size  }
0x9a: {  	s4 =	simm.s32 $_size__tile_overlayer_lowered;
	s5 =	simm.s32 $_tile_overlayer_lowered  }
0x9b: {  	s22 =	simm.s32 $0x1BFF;
	s21 =	sshll.u32 s5, $0x1;
	s2 =	sadd.s32 s19, s18  }
0x9c: {  	s6 =	simm.s32 $0x0;
	s20 =	sshll.u32 s4, $0x1;
	s4 =	sadd.s32 s21, s2  }
0x9d: {  	[timem:s6], [sflag:s22] =	dma.local [hbm:s4], s20  }
0x9e: {  	_ =	swait.ge [sflag:s22], s20  }
0x9f: {  	s3 =	ssub.s32 $0x0, s20;
	[sflag:s22] =	ssyncset.done $0x0  }
0xa0: {  	[sflag:s22] =	ssyncadd.s32 s3;
	_ =	sdelay $0x1  }
0xa1: {  	s23 =	simm.s32 $0x1B8B  }
0xa2: {  	_ =	swait.ge [sflag:s23], $0x1  }
0xa3: {  	[sflag:s23] =	ssyncset.done $0x0  }
0xa4: {  	s25 =	simm.s32 $0x1B8E;
	s24 =	sld [smem:$0x3FFE];
	[sflag:s23] =	ssyncadd.s32 $0xFFFFFFFF  }
0xa5: {  	s26 =	simm.s32 $execute0_lowered;
	[smem:$0x3FD2] =	sst s25  }
0xa6: {  	s4 =	sshll.u32 s26, $0x1;
	_ =	strace $0x80000046;
	[dreg:$0x1] =	wrdreg $0xFFFFFFFF  }
0xa7: {  	s28 =	simm.s32 $_size_execute0_lowered;
	s2 =	sadd.s32 s2, s4;
	[dreg:$0x0] =	wrdreg $0x0  }
0xa8: {  	s4 =	sshll.u32 s28, $0x1;
	[dreg:$0x2] =	wrdreg s2  }
0xa9: {  	[dreg:$0x3] =	wrdreg s4  }
0xaa: {  	[dreg:$0x4] =	wrdreg $0xC0  }
0xab: {  	_ =	task [dreg:s6], $0x5FFFF  }
0xac: {  	[dreg:$0x1] =	wrdreg $0xFFFFFFFF  }
0xad: {  	[dreg:$0x0] =	wrdreg $0x60  }
0xae: {  	[dreg:$0x2] =	wrdreg s24  }
0xaf: {  	[dreg:$0x3] =	wrdreg $0x9  }
0xb0: {  	_ =	task.clear_ibuf [dreg:s6], $0x4FFFF;
	_ =	strace $0x90000046  }
0xb1: {  	s29 =	simm.s32 $0x9;
	_ =	strace $0x80000048  }
0xb2: {  	_ =	swait.ge [sflag:s29], $0x1  }
0xb3: {  	[sflag:s29] =	ssyncadd.s32 $0xFFFFFFFF  }
0xb4: {  	_ =	strace $0x90000048  }
0xb5: {  	_ =	sfence  }
0xb6: {  	s30 =	sld [smem:$0x0];
	_ =	sdelay $0x2  }
0xb7: {  	s31 =	sshll.u32 s1, $0xD;
	s1 =	sshrl.u32 s1, $0x2  }
0xb8: {  	s3 =	sand.u32 $0x4000, s31;
	s1 =	sadd.s32 s1, s30  }
0xb9: {  	s0 =	sor.u32 s3, s0;
	s1 =	sshll.u32 s1, $0x11  }
0xba: {  	s0 =	sor.u32 s1, s0  }
0xbb: {  	s0 =	sadd.s32 $0x8F2B, s0  }
0xbc: {  	[sflag:s0] =	ssyncadd.remote.s32 $0x1  }
0xbd: {  	_ =	sfence.sel $0xFFFF  }
0xbe: {  	[dreg:$0x0] =	wrdreg $0xFFFFFFFF;
	(pc) =	sbr.abs _section_cstart, $3  }
0xbf: {  	[dreg:$0x1] =	wrdreg $0xFFFFFFFF  }
0xc0: {  	_ =	task.clear_ibuf [dreg:s6], $0x2FFFF;
	_ =	strace $0x9FFFFFFF  }
0xc1: {  	(tm) =	ssettm $0x7FFFFFFF  }
tec
execute0_lowered:
.L_overlay_start_1:
0x0: {  	(tag) =	ssettag $0x1  }
0x1: {  	s0 =	srdreg.scid  }
0x2: {  	s2 =	stileid.u32;
	s1 =	rddreg [dreg:$0x0]  }
0x3: {  	s17 =	simm.s32 $0x1080;
	s18 =	simm.s32 $0x1880;
	s19 =	simm.s32 $0x2080  }
0x4: {  	s20 =	simm.s32 $0x2880;
	s21 =	simm.s32 $0x3080;
	s22 =	simm.s32 $0x3880  }
0x5: {  	s23 =	simm.s32 $0x4080;
	s24 =	simm.s32 $0x4880;
	s25 =	simm.s32 $0x5080  }
0x6: {  	s28 =	simm.s32 $0x6080;
	s29 =	simm.s32 $0x6880;
	s30 =	simm.s32 $0x7080  }
0x7: {  	s31 =	simm.s32 $0x7880;
	s0 =	sand.u32 $0x1, s0;
	s3 =	sshll.u32 s2, $0x1  }
0x8: {  	s2 =	simm.s32 $0x0;
	s12 =	sadd.s32 $0xA00, s1;
	s13 =	sadd.s32 $0x28C00, s1  }
0x9: {  	s6 =	sadd.s32 $0xF00, s1;
	s7 =	sadd.s32 $0x1000, s1;
	s3 =	sor.u32 s0, s3  }
0xa: {  	[smem:$0x7FF] =	sst s2;
	s0 =	ssub.s32 $0x2, s0;
	s8 =	smul.u32 $0x50, s3  }
0xb: {  	_ =	strace $0x80000047;
	s3 =	sadd.s32 $0xC00, s1;
	s4 =	sshrl.u32 s0, $0x1  }
0xc: {  	s0 =	ssub.s32 s0, s4;
	s4 =	sadd.s32 $0xD00, s1;
	s9 =	sshrl.u32 s8, $0x3  }
0xd: {  	s10 =	sadd.s32 $0x28, s8;
	s8 =	sadd.s32 $0x1100, s1;
	s5 =	sadd.s32 s12, s9  }
0xe: {  	s11 =	smul.u32 $0xA00, s9;
	s9 =	sadd.s32 $0x1200, s1;
	s14 =	sshrl.u32 s10, $0x3  }
0xf: {  	s10 =	sadd.s32 $0x1300, s1;
	[dreg:$0x2] =	wrdreg s5;
	s5 =	sadd.s32 $0xE00, s1  }
0x10: {  	s16 =	smul.u32 $0xA00, s14;
	s14 =	sadd.s32 s12, s14;
	s12 =	sadd.s32 $0x1500, s1  }
0x11: {  	s15 =	sadd.s32 s13, s11;
	s11 =	sadd.s32 $0x1400, s1;
	[dreg:$0x4] =	wrdreg s14  }
0x12: {  	v2 =	vlaneseq.u32;
	s14 =	simm.s32 $0x2;
	s1 =	simm.s32 $0x1;
	[dreg:$0x3] =	wrdreg s15  }
0x13: {  	vm0 =	vmmov $0xffff;
	v1 =	vshrl.u32 v2, $0x3;
	s26 =	sadd.s32 s13, s16;
	s13 =	smax.u32 s0, $0x1;
	s15 =	simm.s32 $0x80  }
0x14: {  	v0 =	vand.u32 $0x7, v2;
	v2 =	vor.u32 $0x8, v2;
	v1 =	vmul.u32 $0x8, v1;
	s16 =	simm.s32 $0x880;
	[dreg:$0x5] =	wrdreg s26;
	s26 =	simm.s32 $0x5880  }
.LBB2_1:
0x15: {  	s0 =	rddreg [dreg:$0x2]  }
0x16: {  	[tilespmem:s2], [sflag:$0x2] =	stream.linear.gather [hbm4b:s0+s2], $0x28, $0x38;
	[tilespmem:$0x19080] =	vst v63  }
0x17: {  	_ =	swait.ge [sflag:s14], $0x28  }
0x18: {  	[sflag:s14] =	ssyncset.done $0x0  }
0x19: {  	[sflag:s14] =	ssyncadd.s32 $0xFFFFFFD8  }
0x1a: {  	v3 =	vld [tilespmem:$0x0];
	_ =	sdelay $0x4  }
0x1b: {  	v4 =	vshrl.u32 v3, $0x3  }
0x1c: {  	v4 =	vmul.u32 $0xA0, v4  }
0x1d: {  	v3 =	vand.u32 $0x7, v3  }
0x1e: {  	v3 =	vor.u32 v3, v4  }
0x1f: {  	v4 =	vperm.xlane v3, v0;
	_ =	sdelay $0x1  }
0x20: {  	v4 =	vadd.s32 v1, v4;
	_ =	sdelay $0x4  }
0x21: {  	[tilespmem:s15], [sflag:$0x1] =	stream.indirect_vreg.gather [hbm4b:s3+s2], $0x80, v4, vm0, $0xb8;
	[tilespmem:$0x19080] =	vst v63  }
0x22: {  	_ = 	snop  }
0x23: {  	[tilespmem:s16], [sflag:$0x1] =	stream.indirect_vreg.gather [hbm4b:s4+s2], $0x80, v4, vm0, $0xb8;
	[tilespmem:$0x19080] =	vst v63  }
0x24: {  	_ = 	snop  }
0x25: {  	[tilespmem:s17], [sflag:$0x1] =	stream.indirect_vreg.gather [hbm4b:s5+s2], $0x80, v4, vm0, $0xb8;
	[tilespmem:$0x19080] =	vst v63  }
0x26: {  	_ = 	snop  }
0x27: {  	[tilespmem:s18], [sflag:$0x1] =	stream.indirect_vreg.gather [hbm4b:s6+s2], $0x80, v4, vm0, $0xb8;
	[tilespmem:$0x19080] =	vst v63  }
0x28: {  	_ = 	snop  }
0x29: {  	[tilespmem:s19], [sflag:$0x1] =	stream.indirect_vreg.gather [hbm4b:s7+s2], $0x80, v4, vm0, $0xb8;
	[tilespmem:$0x19080] =	vst v63  }
0x2a: {  	_ = 	snop  }
0x2b: {  	[tilespmem:s20], [sflag:$0x1] =	stream.indirect_vreg.gather [hbm4b:s8+s2], $0x80, v4, vm0, $0xb8;
	[tilespmem:$0x19080] =	vst v63  }
0x2c: {  	_ = 	snop  }
0x2d: {  	[tilespmem:s21], [sflag:$0x1] =	stream.indirect_vreg.gather [hbm4b:s9+s2], $0x80, v4, vm0, $0xb8;
	[tilespmem:$0x19080] =	vst v63  }
0x2e: {  	v3 =	vperm.xlane v3, v2  }
0x2f: {  	[tilespmem:s22], [sflag:$0x1] =	stream.indirect_vreg.gather [hbm4b:s10+s2], $0x80, v4, vm0, $0xb8;
	[tilespmem:$0x19080] =	vst v63  }
0x30: {  	v3 =	vadd.s32 v1, v3  }
0x31: {  	[tilespmem:s23], [sflag:$0x1] =	stream.indirect_vreg.gather [hbm4b:s11+s2], $0x80, v4, vm0, $0xb8;
	[tilespmem:$0x19080] =	vst v63  }
0x32: {  	_ = 	snop  }
0x33: {  	[tilespmem:s24], [sflag:$0x1] =	stream.indirect_vreg.gather [hbm4b:s12+s2], $0x80, v4, vm0, $0xb8;
	[tilespmem:$0x19080] =	vst v63  }
0x34: {  	_ = 	snop  }
0x35: {  	[tilespmem:s25], [sflag:$0x1] =	stream.indirect_vreg.gather [hbm4b:s3+s2], $0x80, v3, vm0, $0xb8;
	[tilespmem:$0x19080] =	vst v63  }
0x36: {  	_ = 	snop  }
0x37: {  	[tilespmem:s26], [sflag:$0x1] =	stream.indirect_vreg.gather [hbm4b:s4+s2], $0x80, v3, vm0, $0xb8;
	[tilespmem:$0x19080] =	vst v63  }
0x38: {  	_ = 	snop  }
0x39: {  	[tilespmem:s28], [sflag:$0x1] =	stream.indirect_vreg.gather [hbm4b:s5+s2], $0x80, v3, vm0, $0xb8;
	[tilespmem:$0x19080] =	vst v63  }
0x3a: {  	_ = 	snop  }
0x3b: {  	[tilespmem:s29], [sflag:$0x1] =	stream.indirect_vreg.gather [hbm4b:s6+s2], $0x80, v3, vm0, $0xb8;
	[tilespmem:$0x19080] =	vst v63  }
0x3c: {  	_ = 	snop  }
0x3d: {  	[tilespmem:s30], [sflag:$0x1] =	stream.indirect_vreg.gather [hbm4b:s7+s2], $0x80, v3, vm0, $0xb8;
	[tilespmem:$0x19080] =	vst v63  }
0x3e: {  	_ = 	snop  }
0x3f: {  	[tilespmem:s31], [sflag:$0x1] =	stream.indirect_vreg.gather [hbm4b:s8+s2], $0x80, v3, vm0, $0xb8;
	[tilespmem:$0x19080] =	vst v63  }
0x40: {  	s0 =	simm.s32 $0x8080  }
0x41: {  	[tilespmem:s0], [sflag:$0x1] =	stream.indirect_vreg.gather [hbm4b:s9+s2], $0x80, v3, vm0, $0xb8;
	[tilespmem:$0x19080] =	vst v63  }
0x42: {  	s0 =	simm.s32 $0x8880  }
0x43: {  	[tilespmem:s0], [sflag:$0x1] =	stream.indirect_vreg.gather [hbm4b:s10+s2], $0x80, v3, vm0, $0xb8;
	[tilespmem:$0x19080] =	vst v63  }
0x44: {  	s0 =	simm.s32 $0x9080  }
0x45: {  	[tilespmem:s0], [sflag:$0x1] =	stream.indirect_vreg.gather [hbm4b:s11+s2], $0x80, v3, vm0, $0xb8;
	[tilespmem:$0x19080] =	vst v63  }
0x46: {  	s0 =	simm.s32 $0x9880  }
0x47: {  	[tilespmem:s0], [sflag:$0x1] =	stream.indirect_vreg.gather [hbm4b:s12+s2], $0x80, v3, vm0, $0xb8;
	[tilespmem:$0x19080] =	vst v63  }
0x48: {  	v3 =	vld [tilespmem:$0x10];
	_ =	sdelay $0x4  }
0x49: {  	v59 =	vshrl.u32 v3, $0x3  }
0x4a: {  	v4 =	vmul.u32 $0xA0, v59  }
0x4b: {  	v3 =	vand.u32 $0x7, v3  }
0x4c: {  	v3 =	vor.u32 v3, v4  }
0x4d: {  	v4 =	vperm.xlane v3, v0;
	_ =	sdelay $0x1  }
0x4e: {  	v4 =	vadd.s32 v1, v4;
	_ =	sdelay $0x3  }
0x4f: {  	s0 =	simm.s32 $0xA080  }
0x50: {  	[tilespmem:s0], [sflag:$0x1] =	stream.indirect_vreg.gather [hbm4b:s3+s2], $0x80, v4, vm0, $0xb8;
	[tilespmem:$0x19080] =	vst v63  }
0x51: {  	s0 =	simm.s32 $0xA880  }
0x52: {  	[tilespmem:s0], [sflag:$0x1] =	stream.indirect_vreg.gather [hbm4b:s4+s2], $0x80, v4, vm0, $0xb8;
	[tilespmem:$0x19080] =	vst v63  }
0x53: {  	s0 =	simm.s32 $0xB080  }
0x54: {  	[tilespmem:s0], [sflag:$0x1] =	stream.indirect_vreg.gather [hbm4b:s5+s2], $0x80, v4, vm0, $0xb8;
	[tilespmem:$0x19080] =	vst v63  }
0x55: {  	s0 =	simm.s32 $0xB880  }
0x56: {  	[tilespmem:s0], [sflag:$0x1] =	stream.indirect_vreg.gather [hbm4b:s6+s2], $0x80, v4, vm0, $0xb8;
	[tilespmem:$0x19080] =	vst v63  }
0x57: {  	s0 =	simm.s32 $0xC080  }
0x58: {  	[tilespmem:s0], [sflag:$0x1] =	stream.indirect_vreg.gather [hbm4b:s7+s2], $0x80, v4, vm0, $0xb8;
	[tilespmem:$0x19080] =	vst v63  }
0x59: {  	s0 =	simm.s32 $0xC880  }
0x5a: {  	[tilespmem:s0], [sflag:$0x1] =	stream.indirect_vreg.gather [hbm4b:s8+s2], $0x80, v4, vm0, $0xb8;
	[tilespmem:$0x19080] =	vst v63  }
0x5b: {  	s0 =	simm.s32 $0xD080  }
0x5c: {  	[tilespmem:s0], [sflag:$0x1] =	stream.indirect_vreg.gather [hbm4b:s9+s2], $0x80, v4, vm0, $0xb8;
	[tilespmem:$0x19080] =	vst v63  }
0x5d: {  	v3 =	vperm.xlane v3, v2;
	s0 =	simm.s32 $0xD880  }
0x5e: {  	[tilespmem:s0], [sflag:$0x1] =	stream.indirect_vreg.gather [hbm4b:s10+s2], $0x80, v4, vm0, $0xb8;
	[tilespmem:$0x19080] =	vst v63  }
0x5f: {  	v3 =	vadd.s32 v1, v3;
	s0 =	simm.s32 $0xE080  }
0x60: {  	[tilespmem:s0], [sflag:$0x1] =	stream.indirect_vreg.gather [hbm4b:s11+s2], $0x80, v4, vm0, $0xb8;
	[tilespmem:$0x19080] =	vst v63  }
0x61: {  	s0 =	simm.s32 $0xE880  }
0x62: {  	[tilespmem:s0], [sflag:$0x1] =	stream.indirect_vreg.gather [hbm4b:s12+s2], $0x80, v4, vm0, $0xb8;
	[tilespmem:$0x19080] =	vst v63  }
0x63: {  	s0 =	simm.s32 $0xF080  }
0x64: {  	[tilespmem:s0], [sflag:$0x1] =	stream.indirect_vreg.gather [hbm4b:s3+s2], $0x80, v3, vm0, $0xb8;
	[tilespmem:$0x19080] =	vst v63  }
0x65: {  	s0 =	simm.s32 $0xF880  }
0x66: {  	[tilespmem:s0], [sflag:$0x1] =	stream.indirect_vreg.gather [hbm4b:s4+s2], $0x80, v3, vm0, $0xb8;
	[tilespmem:$0x19080] =	vst v63  }
0x67: {  	s0 =	simm.s32 $0x10080  }
0x68: {  	[tilespmem:s0], [sflag:$0x1] =	stream.indirect_vreg.gather [hbm4b:s5+s2], $0x80, v3, vm0, $0xb8;
	[tilespmem:$0x19080] =	vst v63  }
0x69: {  	s0 =	simm.s32 $0x10880  }
0x6a: {  	[tilespmem:s0], [sflag:$0x1] =	stream.indirect_vreg.gather [hbm4b:s6+s2], $0x80, v3, vm0, $0xb8;
	[tilespmem:$0x19080] =	vst v63  }
0x6b: {  	s0 =	simm.s32 $0x11080  }
0x6c: {  	[tilespmem:s0], [sflag:$0x1] =	stream.indirect_vreg.gather [hbm4b:s7+s2], $0x80, v3, vm0, $0xb8;
	[tilespmem:$0x19080] =	vst v63  }
0x6d: {  	s0 =	simm.s32 $0x11880  }
0x6e: {  	[tilespmem:s0], [sflag:$0x1] =	stream.indirect_vreg.gather [hbm4b:s8+s2], $0x80, v3, vm0, $0xb8;
	[tilespmem:$0x19080] =	vst v63  }
0x6f: {  	s0 =	simm.s32 $0x12080  }
0x70: {  	[tilespmem:s0], [sflag:$0x1] =	stream.indirect_vreg.gather [hbm4b:s9+s2], $0x80, v3, vm0, $0xb8;
	[tilespmem:$0x19080] =	vst v63  }
0x71: {  	s0 =	simm.s32 $0x12880  }
0x72: {  	[tilespmem:s0], [sflag:$0x1] =	stream.indirect_vreg.gather [hbm4b:s10+s2], $0x80, v3, vm0, $0xb8;
	[tilespmem:$0x19080] =	vst v63  }
0x73: {  	s0 =	simm.s32 $0x13080  }
0x74: {  	[tilespmem:s0], [sflag:$0x1] =	stream.indirect_vreg.gather [hbm4b:s11+s2], $0x80, v3, vm0, $0xb8;
	[tilespmem:$0x19080] =	vst v63  }
0x75: {  	s0 =	simm.s32 $0x13880  }
0x76: {  	[tilespmem:s0], [sflag:$0x1] =	stream.indirect_vreg.gather [hbm4b:s12+s2], $0x80, v3, vm0, $0xb8;
	[tilespmem:$0x19080] =	vst v63  }
0x77: {  	v3 =	vld.msk [tilespmem:$0x20], $0xff;
	_ =	sdelay $0x4  }
0x78: {  	v60 =	vshrl.u32 v3, $0x3  }
0x79: {  	v4 =	vmul.u32 $0xA0, v60  }
0x7a: {  	v3 =	vand.u32 $0x7, v3  }
0x7b: {  	v3 =	vor.u32 v3, v4  }
0x7c: {  	v3 =	vperm.xlane v3, v0;
	_ =	sdelay $0x1  }
0x7d: {  	v3 =	vadd.s32 v1, v3;
	_ =	sdelay $0x3  }
0x7e: {  	s0 =	simm.s32 $0x14080  }
0x7f: {  	[tilespmem:s0], [sflag:$0x1] =	stream.indirect_vreg.gather [hbm4b:s3+s2], $0x80, v3, vm0, $0xb8;
	[tilespmem:$0x19080] =	vst v63  }
0x80: {  	s0 =	simm.s32 $0x14880  }
0x81: {  	[tilespmem:s0], [sflag:$0x1] =	stream.indirect_vreg.gather [hbm4b:s4+s2], $0x80, v3, vm0, $0xb8;
	[tilespmem:$0x19080] =	vst v63  }
0x82: {  	s0 =	simm.s32 $0x15080  }
0x83: {  	[tilespmem:s0], [sflag:$0x1] =	stream.indirect_vreg.gather [hbm4b:s5+s2], $0x80, v3, vm0, $0xb8;
	[tilespmem:$0x19080] =	vst v63  }
0x84: {  	s0 =	simm.s32 $0x15880  }
0x85: {  	[tilespmem:s0], [sflag:$0x1] =	stream.indirect_vreg.gather [hbm4b:s6+s2], $0x80, v3, vm0, $0xb8;
	[tilespmem:$0x19080] =	vst v63  }
0x86: {  	s0 =	simm.s32 $0x16080  }
0x87: {  	[tilespmem:s0], [sflag:$0x1] =	stream.indirect_vreg.gather [hbm4b:s7+s2], $0x80, v3, vm0, $0xb8;
	[tilespmem:$0x19080] =	vst v63  }
0x88: {  	s0 =	simm.s32 $0x16880  }
0x89: {  	[tilespmem:s0], [sflag:$0x1] =	stream.indirect_vreg.gather [hbm4b:s8+s2], $0x80, v3, vm0, $0xb8;
	[tilespmem:$0x19080] =	vst v63  }
0x8a: {  	s0 =	simm.s32 $0x17080  }
0x8b: {  	[tilespmem:s0], [sflag:$0x1] =	stream.indirect_vreg.gather [hbm4b:s9+s2], $0x80, v3, vm0, $0xb8;
	[tilespmem:$0x19080] =	vst v63  }
0x8c: {  	s0 =	simm.s32 $0x17880  }
0x8d: {  	[tilespmem:s0], [sflag:$0x1] =	stream.indirect_vreg.gather [hbm4b:s10+s2], $0x80, v3, vm0, $0xb8;
	[tilespmem:$0x19080] =	vst v63  }
0x8e: {  	s0 =	simm.s32 $0x18080  }
0x8f: {  	[tilespmem:s0], [sflag:$0x1] =	stream.indirect_vreg.gather [hbm4b:s11+s2], $0x80, v3, vm0, $0xb8;
	[tilespmem:$0x19080] =	vst v63  }
0x90: {  	s0 =	simm.s32 $0x18880  }
0x91: {  	[tilespmem:s0], [sflag:$0x1] =	stream.indirect_vreg.gather [hbm4b:s12+s2], $0x80, v3, vm0, $0xb8;
	[tilespmem:$0x19080] =	vst v63  }
0x92: {  	_ =	swait.ge [sflag:s1], $0x19000  }
0x93: {  	[sflag:s1] =	ssyncset.done $0x0  }
0x94: {  	s0 =	rddreg [dreg:$0x3];
	[sflag:s1] =	ssyncadd.s32 $0xFFFE7000  }
0x95: {  	[hbm4b:s0+s2] =	stream.linear.scatter [tilespmem:s15], [sflag:$0x2], $0x19000, $0x38;
	[tilespmem:$0x19080] =	vst v63  }
0x96: {  	_ =	swait.ge [sflag:s14], $0x19000  }
0x97: {  	[sflag:s14] =	ssyncset.done $0x0  }
0x98: {  	s0 =	rddreg [dreg:$0x4];
	[sflag:s14] =	ssyncadd.s32 $0xFFFE7000  }
0x99: {  	[tilespmem:s2], [sflag:$0x2] =	stream.linear.gather [hbm4b:s0+s2], $0x28, $0x38;
	[tilespmem:$0x19080] =	vst v63  }
0x9a: {  	_ =	swait.ge [sflag:s14], $0x28  }
0x9b: {  	[sflag:s14] =	ssyncset.done $0x0  }
0x9c: {  	[sflag:s14] =	ssyncadd.s32 $0xFFFFFFD8  }
0x9d: {  	v3 =	vld [tilespmem:$0x0];
	_ =	sdelay $0x4  }
0x9e: {  	v61 =	vshrl.u32 v3, $0x3  }
0x9f: {  	v4 =	vmul.u32 $0xA0, v61  }
0xa0: {  	v3 =	vand.u32 $0x7, v3  }
0xa1: {  	v3 =	vor.u32 v3, v4  }
0xa2: {  	v4 =	vperm.xlane v3, v0;
	_ =	sdelay $0x1  }
0xa3: {  	v4 =	vadd.s32 v1, v4;
	_ =	sdelay $0x4  }
0xa4: {  	[tilespmem:s15], [sflag:$0x1] =	stream.indirect_vreg.gather [hbm4b:s3+s2], $0x80, v4, vm0, $0xb8;
	[tilespmem:$0x19080] =	vst v63  }
0xa5: {  	_ = 	snop  }
0xa6: {  	[tilespmem:s16], [sflag:$0x1] =	stream.indirect_vreg.gather [hbm4b:s4+s2], $0x80, v4, vm0, $0xb8;
	[tilespmem:$0x19080] =	vst v63  }
0xa7: {  	_ = 	snop  }
0xa8: {  	[tilespmem:s17], [sflag:$0x1] =	stream.indirect_vreg.gather [hbm4b:s5+s2], $0x80, v4, vm0, $0xb8;
	[tilespmem:$0x19080] =	vst v63  }
0xa9: {  	_ = 	snop  }
0xaa: {  	[tilespmem:s18], [sflag:$0x1] =	stream.indirect_vreg.gather [hbm4b:s6+s2], $0x80, v4, vm0, $0xb8;
	[tilespmem:$0x19080] =	vst v63  }
0xab: {  	_ = 	snop  }
0xac: {  	[tilespmem:s19], [sflag:$0x1] =	stream.indirect_vreg.gather [hbm4b:s7+s2], $0x80, v4, vm0, $0xb8;
	[tilespmem:$0x19080] =	vst v63  }
0xad: {  	_ = 	snop  }
0xae: {  	[tilespmem:s20], [sflag:$0x1] =	stream.indirect_vreg.gather [hbm4b:s8+s2], $0x80, v4, vm0, $0xb8;
	[tilespmem:$0x19080] =	vst v63  }
0xaf: {  	_ = 	snop  }
0xb0: {  	[tilespmem:s21], [sflag:$0x1] =	stream.indirect_vreg.gather [hbm4b:s9+s2], $0x80, v4, vm0, $0xb8;
	[tilespmem:$0x19080] =	vst v63  }
0xb1: {  	v3 =	vperm.xlane v3, v2  }
0xb2: {  	[tilespmem:s22], [sflag:$0x1] =	stream.indirect_vreg.gather [hbm4b:s10+s2], $0x80, v4, vm0, $0xb8;
	[tilespmem:$0x19080] =	vst v63  }
0xb3: {  	v3 =	vadd.s32 v1, v3  }
0xb4: {  	[tilespmem:s23], [sflag:$0x1] =	stream.indirect_vreg.gather [hbm4b:s11+s2], $0x80, v4, vm0, $0xb8;
	[tilespmem:$0x19080] =	vst v63  }
0xb5: {  	_ = 	snop  }
0xb6: {  	[tilespmem:s24], [sflag:$0x1] =	stream.indirect_vreg.gather [hbm4b:s12+s2], $0x80, v4, vm0, $0xb8;
	[tilespmem:$0x19080] =	vst v63  }
0xb7: {  	_ = 	snop  }
0xb8: {  	[tilespmem:s25], [sflag:$0x1] =	stream.indirect_vreg.gather [hbm4b:s3+s2], $0x80, v3, vm0, $0xb8;
	[tilespmem:$0x19080] =	vst v63  }
0xb9: {  	_ = 	snop  }
0xba: {  	[tilespmem:s26], [sflag:$0x1] =	stream.indirect_vreg.gather [hbm4b:s4+s2], $0x80, v3, vm0, $0xb8;
	[tilespmem:$0x19080] =	vst v63  }
0xbb: {  	_ = 	snop  }
0xbc: {  	[tilespmem:s28], [sflag:$0x1] =	stream.indirect_vreg.gather [hbm4b:s5+s2], $0x80, v3, vm0, $0xb8;
	[tilespmem:$0x19080] =	vst v63  }
0xbd: {  	_ = 	snop  }
0xbe: {  	[tilespmem:s29], [sflag:$0x1] =	stream.indirect_vreg.gather [hbm4b:s6+s2], $0x80, v3, vm0, $0xb8;
	[tilespmem:$0x19080] =	vst v63  }
0xbf: {  	_ = 	snop  }
0xc0: {  	[tilespmem:s30], [sflag:$0x1] =	stream.indirect_vreg.gather [hbm4b:s7+s2], $0x80, v3, vm0, $0xb8;
	[tilespmem:$0x19080] =	vst v63  }
0xc1: {  	_ = 	snop  }
0xc2: {  	[tilespmem:s31], [sflag:$0x1] =	stream.indirect_vreg.gather [hbm4b:s8+s2], $0x80, v3, vm0, $0xb8;
	[tilespmem:$0x19080] =	vst v63  }
0xc3: {  	s0 =	simm.s32 $0x8080  }
0xc4: {  	[tilespmem:s0], [sflag:$0x1] =	stream.indirect_vreg.gather [hbm4b:s9+s2], $0x80, v3, vm0, $0xb8;
	[tilespmem:$0x19080] =	vst v63  }
0xc5: {  	s0 =	simm.s32 $0x8880  }
0xc6: {  	[tilespmem:s0], [sflag:$0x1] =	stream.indirect_vreg.gather [hbm4b:s10+s2], $0x80, v3, vm0, $0xb8;
	[tilespmem:$0x19080] =	vst v63  }
0xc7: {  	s0 =	simm.s32 $0x9080  }
0xc8: {  	[tilespmem:s0], [sflag:$0x1] =	stream.indirect_vreg.gather [hbm4b:s11+s2], $0x80, v3, vm0, $0xb8;
	[tilespmem:$0x19080] =	vst v63  }
0xc9: {  	s0 =	simm.s32 $0x9880  }
0xca: {  	[tilespmem:s0], [sflag:$0x1] =	stream.indirect_vreg.gather [hbm4b:s12+s2], $0x80, v3, vm0, $0xb8;
	[tilespmem:$0x19080] =	vst v63  }
0xcb: {  	v3 =	vld [tilespmem:$0x10];
	_ =	sdelay $0x4  }
0xcc: {  	v62 =	vshrl.u32 v3, $0x3  }
0xcd: {  	v4 =	vmul.u32 $0xA0, v62  }
0xce: {  	v3 =	vand.u32 $0x7, v3  }
0xcf: {  	v3 =	vor.u32 v3, v4  }
0xd0: {  	v4 =	vperm.xlane v3, v0;
	_ =	sdelay $0x1  }
0xd1: {  	v4 =	vadd.s32 v1, v4;
	_ =	sdelay $0x3  }
0xd2: {  	s0 =	simm.s32 $0xA080  }
0xd3: {  	[tilespmem:s0], [sflag:$0x1] =	stream.indirect_vreg.gather [hbm4b:s3+s2], $0x80, v4, vm0, $0xb8;
	[tilespmem:$0x19080] =	vst v63  }
0xd4: {  	s0 =	simm.s32 $0xA880  }
0xd5: {  	[tilespmem:s0], [sflag:$0x1] =	stream.indirect_vreg.gather [hbm4b:s4+s2], $0x80, v4, vm0, $0xb8;
	[tilespmem:$0x19080] =	vst v63  }
0xd6: {  	s0 =	simm.s32 $0xB080  }
0xd7: {  	[tilespmem:s0], [sflag:$0x1] =	stream.indirect_vreg.gather [hbm4b:s5+s2], $0x80, v4, vm0, $0xb8;
	[tilespmem:$0x19080] =	vst v63  }
0xd8: {  	s0 =	simm.s32 $0xB880  }
0xd9: {  	[tilespmem:s0], [sflag:$0x1] =	stream.indirect_vreg.gather [hbm4b:s6+s2], $0x80, v4, vm0, $0xb8;
	[tilespmem:$0x19080] =	vst v63  }
0xda: {  	s0 =	simm.s32 $0xC080  }
0xdb: {  	[tilespmem:s0], [sflag:$0x1] =	stream.indirect_vreg.gather [hbm4b:s7+s2], $0x80, v4, vm0, $0xb8;
	[tilespmem:$0x19080] =	vst v63  }
0xdc: {  	s0 =	simm.s32 $0xC880  }
0xdd: {  	[tilespmem:s0], [sflag:$0x1] =	stream.indirect_vreg.gather [hbm4b:s8+s2], $0x80, v4, vm0, $0xb8;
	[tilespmem:$0x19080] =	vst v63  }
0xde: {  	s0 =	simm.s32 $0xD080  }
0xdf: {  	[tilespmem:s0], [sflag:$0x1] =	stream.indirect_vreg.gather [hbm4b:s9+s2], $0x80, v4, vm0, $0xb8;
	[tilespmem:$0x19080] =	vst v63  }
0xe0: {  	v3 =	vperm.xlane v3, v2;
	s0 =	simm.s32 $0xD880  }
0xe1: {  	[tilespmem:s0], [sflag:$0x1] =	stream.indirect_vreg.gather [hbm4b:s10+s2], $0x80, v4, vm0, $0xb8;
	[tilespmem:$0x19080] =	vst v63  }
0xe2: {  	v3 =	vadd.s32 v1, v3;
	s0 =	simm.s32 $0xE080  }
0xe3: {  	[tilespmem:s0], [sflag:$0x1] =	stream.indirect_vreg.gather [hbm4b:s11+s2], $0x80, v4, vm0, $0xb8;
	[tilespmem:$0x19080] =	vst v63  }
0xe4: {  	s0 =	simm.s32 $0xE880  }
0xe5: {  	[tilespmem:s0], [sflag:$0x1] =	stream.indirect_vreg.gather [hbm4b:s12+s2], $0x80, v4, vm0, $0xb8;
	[tilespmem:$0x19080] =	vst v63  }
0xe6: {  	s0 =	simm.s32 $0xF080  }
0xe7: {  	[tilespmem:s0], [sflag:$0x1] =	stream.indirect_vreg.gather [hbm4b:s3+s2], $0x80, v3, vm0, $0xb8;
	[tilespmem:$0x19080] =	vst v63  }
0xe8: {  	s0 =	simm.s32 $0xF880  }
0xe9: {  	[tilespmem:s0], [sflag:$0x1] =	stream.indirect_vreg.gather [hbm4b:s4+s2], $0x80, v3, vm0, $0xb8;
	[tilespmem:$0x19080] =	vst v63  }
0xea: {  	s0 =	simm.s32 $0x10080  }
0xeb: {  	[tilespmem:s0], [sflag:$0x1] =	stream.indirect_vreg.gather [hbm4b:s5+s2], $0x80, v3, vm0, $0xb8;
	[tilespmem:$0x19080] =	vst v63  }
0xec: {  	s0 =	simm.s32 $0x10880  }
0xed: {  	[tilespmem:s0], [sflag:$0x1] =	stream.indirect_vreg.gather [hbm4b:s6+s2], $0x80, v3, vm0, $0xb8;
	[tilespmem:$0x19080] =	vst v63  }
0xee: {  	s0 =	simm.s32 $0x11080  }
0xef: {  	[tilespmem:s0], [sflag:$0x1] =	stream.indirect_vreg.gather [hbm4b:s7+s2], $0x80, v3, vm0, $0xb8;
	[tilespmem:$0x19080] =	vst v63  }
0xf0: {  	s0 =	simm.s32 $0x11880  }
0xf1: {  	[tilespmem:s0], [sflag:$0x1] =	stream.indirect_vreg.gather [hbm4b:s8+s2], $0x80, v3, vm0, $0xb8;
	[tilespmem:$0x19080] =	vst v63  }
0xf2: {  	s0 =	simm.s32 $0x12080  }
0xf3: {  	[tilespmem:s0], [sflag:$0x1] =	stream.indirect_vreg.gather [hbm4b:s9+s2], $0x80, v3, vm0, $0xb8;
	[tilespmem:$0x19080] =	vst v63  }
0xf4: {  	s0 =	simm.s32 $0x12880  }
0xf5: {  	[tilespmem:s0], [sflag:$0x1] =	stream.indirect_vreg.gather [hbm4b:s10+s2], $0x80, v3, vm0, $0xb8;
	[tilespmem:$0x19080] =	vst v63  }
0xf6: {  	s0 =	simm.s32 $0x13080  }
0xf7: {  	[tilespmem:s0], [sflag:$0x1] =	stream.indirect_vreg.gather [hbm4b:s11+s2], $0x80, v3, vm0, $0xb8;
	[tilespmem:$0x19080] =	vst v63  }
0xf8: {  	s0 =	simm.s32 $0x13880  }
0xf9: {  	[tilespmem:s0], [sflag:$0x1] =	stream.indirect_vreg.gather [hbm4b:s12+s2], $0x80, v3, vm0, $0xb8;
	[tilespmem:$0x19080] =	vst v63  }
0xfa: {  	v3 =	vld.msk [tilespmem:$0x20], $0xff;
	_ =	sdelay $0x4  }
0xfb: {  	v63 =	vshrl.u32 v3, $0x3  }
0xfc: {  	v4 =	vmul.u32 $0xA0, v63  }
0xfd: {  	v3 =	vand.u32 $0x7, v3  }
0xfe: {  	v3 =	vor.u32 v3, v4  }
0xff: {  	v3 =	vperm.xlane v3, v0;
	_ =	sdelay $0x1  }
0x100: {  	v3 =	vadd.s32 v1, v3;
	_ =	sdelay $0x3  }
0x101: {  	s0 =	simm.s32 $0x14080  }
0x102: {  	[tilespmem:s0], [sflag:$0x1] =	stream.indirect_vreg.gather [hbm4b:s3+s2], $0x80, v3, vm0, $0xb8;
	[tilespmem:$0x19080] =	vst v63  }
0x103: {  	s0 =	simm.s32 $0x14880  }
0x104: {  	[tilespmem:s0], [sflag:$0x1] =	stream.indirect_vreg.gather [hbm4b:s4+s2], $0x80, v3, vm0, $0xb8;
	[tilespmem:$0x19080] =	vst v63  }
0x105: {  	s0 =	simm.s32 $0x15080  }
0x106: {  	[tilespmem:s0], [sflag:$0x1] =	stream.indirect_vreg.gather [hbm4b:s5+s2], $0x80, v3, vm0, $0xb8;
	[tilespmem:$0x19080] =	vst v63  }
0x107: {  	s0 =	simm.s32 $0x15880  }
0x108: {  	[tilespmem:s0], [sflag:$0x1] =	stream.indirect_vreg.gather [hbm4b:s6+s2], $0x80, v3, vm0, $0xb8;
	[tilespmem:$0x19080] =	vst v63  }
0x109: {  	s0 =	simm.s32 $0x16080  }
0x10a: {  	[tilespmem:s0], [sflag:$0x1] =	stream.indirect_vreg.gather [hbm4b:s7+s2], $0x80, v3, vm0, $0xb8;
	[tilespmem:$0x19080] =	vst v63  }
0x10b: {  	s0 =	simm.s32 $0x16880  }
0x10c: {  	[tilespmem:s0], [sflag:$0x1] =	stream.indirect_vreg.gather [hbm4b:s8+s2], $0x80, v3, vm0, $0xb8;
	[tilespmem:$0x19080] =	vst v63  }
0x10d: {  	s0 =	simm.s32 $0x17080  }
0x10e: {  	[tilespmem:s0], [sflag:$0x1] =	stream.indirect_vreg.gather [hbm4b:s9+s2], $0x80, v3, vm0, $0xb8;
	[tilespmem:$0x19080] =	vst v63  }
0x10f: {  	s0 =	simm.s32 $0x17880  }
0x110: {  	[tilespmem:s0], [sflag:$0x1] =	stream.indirect_vreg.gather [hbm4b:s10+s2], $0x80, v3, vm0, $0xb8;
	[tilespmem:$0x19080] =	vst v63  }
0x111: {  	s0 =	simm.s32 $0x18080  }
0x112: {  	[tilespmem:s0], [sflag:$0x1] =	stream.indirect_vreg.gather [hbm4b:s11+s2], $0x80, v3, vm0, $0xb8;
	[tilespmem:$0x19080] =	vst v63  }
0x113: {  	s0 =	simm.s32 $0x18880  }
0x114: {  	[tilespmem:s0], [sflag:$0x1] =	stream.indirect_vreg.gather [hbm4b:s12+s2], $0x80, v3, vm0, $0xb8;
	[tilespmem:$0x19080] =	vst v63  }
0x115: {  	_ =	swait.ge [sflag:s1], $0x19000  }
0x116: {  	p0 =	sne.s32 s13, $0x1;
	[sflag:s1] =	ssyncset.done $0x0  }
.Ltmp0:
0x117: {  	s0 =	rddreg [dreg:$0x5];
	[sflag:s1] =	ssyncadd.s32 $0xFFFE7000;
	(pc) =	sbr.rel @p0 .LBB2_1-.Ltmp0, $4  }
0x118: {  	[hbm4b:s0+s2] =	stream.linear.scatter [tilespmem:s15], [sflag:$0x2], $0x19000, $0x38;
	[tilespmem:$0x19080] =	vst v63  }
0x119: {  	_ =	swait.ge [sflag:s14], $0x19000  }
0x11a: {  	[sflag:s14] =	ssyncset.done $0x0  }
0x11b: {  	s13 =	sadd.s32 $0xFFFFFFFF, s13;
	[sflag:s14] =	ssyncadd.s32 $0xFFFE7000  }
0x11c: {  	_ =	sfence.sel $0x180000  }
0x11d: {  	[bflag:$0x0] =	sbarrier.arrive $0xFFFF  }
0x11e: {  	_ =	strace $0x90000047  }
0x11f: {  	s0 =	stileid.u32;
	[bflag:$0x2] =	sbarrier.arrive $0xFFFF  }
0x120: {  	p0 =	sne.s32 s0, $0x0;
	s0 =	rddreg [dreg:$0x1]  }
0x121: {  	s0 =	sadd.s32 @!p0 $0x100000, s0  }
0x122: {  	[sflag:s0] =	ssyncadd.tile.s32 @!p0 $0x1;
	_ =	shalt  }
.Lfunc_end2:
_tile_overlayer_lowered:
.L_overlay_start_2:
0x123: {  	(tag) =	ssettag $0x2  }
0x124: {  	s0 =	rddreg [dreg:$0x0];
	s2 =	stileid.u32  }
0x125: {  	s1 =	rddreg [dreg:$0x1];
	p0 =	sne.s32 s2, $0x0  }
0x126: {  	s3 =	rddreg [dreg:$0x2];
	[bflag:$0x3] =	sbarrier.arrive $0xFFFF;
	s2 =	simm.s32 @!p0 $0x1C02  }
0x127: {  	[timem:s3], [sflag:s2] =	dma.local @!p0 [hbm:s0], s1  }
0x128: {  	s0 =	simm.s32 @!p0 $0x2  }
0x129: {  	_ =	swait.ge @!p0 [sflag:s0], s1  }
0x12a: {  	s1 =	ssub.s32 @!p0 $0x0, s1;
	[sflag:s0] =	ssyncset.done @!p0 $0x0  }
0x12b: {  	[sflag:s0] =	ssyncadd.s32 @!p0 s1  }
0x12c: {  	[bflag:$0x3] =	sbarrier.arrive $0xFFFF  }
0x12d: {  	_ =	shalt  }

</sc_bundles>
